<compile_context>
chip_gen: v7x
topology: tpu7x:2x2x1
jax: 0.10.2.dev20260603
libtpu: 0.0.44.dev20260713+nightly
codegen_flags: <defaults>
</compile_context>

<pallas_src>
import math

import jax
import jax.numpy as jnp
from jax.experimental import pallas as pl
from jax.experimental.pallas import tpu as pltpu

B = 2048
INPUT = 512
HIDDEN = 512
KDIM = 64
VDIM = 128
HEADS = 4
NB = 64
K = 16

BT = 512
NG = 8
BT2 = 256
SCALE = 1.0 / (HEADS * math.sqrt(KDIM))

_F32 = jnp.float32
_BF16 = jnp.bfloat16
_DN = (((1,), (0,)), ((), ()))


def _dot(a, b):
    return jax.lax.dot_general(a.astype(_BF16), b.astype(_BF16), _DN,
                               preferred_element_type=_F32)


def _dott(a, b):
    return jnp.transpose(_dot(a, b), (1, 0))


def _stage0_kernel(x_ref, Wk_ref, Wv_ref,
                   k0_ref, k1_ref, v0_ref, v1_ref, xb_ref, wkb_ref, wvb_ref):
    xb_ref[:] = x_ref[:].astype(_BF16)
    wkb_ref[:] = Wk_ref[:].astype(_BF16)
    wvb_ref[:] = Wv_ref[:].astype(_BF16)
    x0 = xb_ref[:, 0:INPUT]
    x1 = xb_ref[:, INPUT:2 * INPUT]
    k0_ref[:] = _dott(x0, wkb_ref[:]).astype(_BF16)
    k1_ref[:] = _dott(x1, wkb_ref[:]).astype(_BF16)
    r0 = _dot(x0, wvb_ref[:])
    r1 = _dot(x1, wvb_ref[:])
    v0_ref[:] = (r0[:, 0:128] + r0[:, 128:256]
                 + r0[:, 256:384] + r0[:, 384:512]) * 0.25
    v1_ref[:] = (r1[:, 0:128] + r1[:, 128:256]
                 + r1[:, 256:384] + r1[:, 384:512]) * 0.25


def _stage1_kernel(k0_ref, k1_ref, h_ref, Wq_ref,
                   s0_ref, s1_ref, hb_ref, wqb_ref):
    i_n = pl.program_id(0)
    i_b = pl.program_id(1)

    hb_ref[:] = h_ref[:].astype(_BF16)

    wqb_ref[:] = Wq_ref[:].astype(_BF16)

    bstart = i_b * BT
    k0 = k0_ref[:, pl.ds(bstart, BT)].astype(_F32)
    k1 = k1_ref[:, pl.ds(bstart, BT)].astype(_F32)
    rows0 = []
    rows1 = []
    for jn in range(NG):
        hs = hb_ref[:, jn * HIDDEN:(jn + 1) * HIDDEN]
        qt = _dott(hs, wqb_ref[jn])
        qb = qt.astype(_BF16).astype(_F32)
        rows0.append(jnp.sum(qb * k0, axis=0, keepdims=True))
        rows1.append(jnp.sum(qb * k1, axis=0, keepdims=True))
    s0_ref[pl.ds(i_n * NG, NG), :] = jnp.concatenate(rows0, axis=0) * SCALE
    s1_ref[pl.ds(i_n * NG, NG), :] = jnp.concatenate(rows1, axis=0) * SCALE


def _stage2_kernel(s0_ref, s1_ref, v0_ref, v1_ref,
                   out_ref, mask_ref, probs_ref):
    s0 = s0_ref[:]
    s1 = s1_ref[:]
    n_iota = jax.lax.broadcasted_iota(jnp.int32, (NB, BT2), 0)
    rank = jnp.zeros((NB, BT2), _F32)
    for m in range(NB):
        sm = s0[m:m + 1, :]
        beats = (sm > s0) | ((sm == s0) & (n_iota > m))
        rank = rank + jnp.where(beats, 1.0, 0.0)
    maskv = jnp.where(rank < float(K), 1.0, 0.0)
    p0 = 1.0 / (1.0 + jnp.exp(s1 - s0))
    mp0 = maskv * p0
    mp1 = maskv - mp0
    mp0t = jnp.transpose(mp0, (1, 0))
    mp1t = jnp.transpose(mp1, (1, 0))
    v0 = v0_ref[:]
    v1 = v1_ref[:]
    out_ref[:] = (mp0t[:, :, None] * v0[:, None, :]
                  + mp1t[:, :, None] * v1[:, None, :])
    mask_ref[:] = jnp.transpose(maskv, (1, 0))
    probs_ref[:] = jnp.transpose(p0, (1, 0))


def kernel(x, h, Wk, Wv, Wq):
    h2 = h.reshape(B, NB * HIDDEN)
    x2 = x.reshape(B, 2 * INPUT)
    k0, k1, v0, v1 = pl.pallas_call(
        _stage0_kernel,
        grid=(1,),
        in_specs=[
            pl.BlockSpec((B, 2 * INPUT), lambda i: (0, 0)),
            pl.BlockSpec((INPUT, HEADS * KDIM), lambda i: (0, 0)),
            pl.BlockSpec((INPUT, HEADS * VDIM), lambda i: (0, 0)),
        ],
        out_specs=[
            pl.BlockSpec((HEADS * KDIM, B), lambda i: (0, 0)),
            pl.BlockSpec((HEADS * KDIM, B), lambda i: (0, 0)),
            pl.BlockSpec((B, VDIM), lambda i: (0, 0)),
            pl.BlockSpec((B, VDIM), lambda i: (0, 0)),
        ],
        out_shape=[
            jax.ShapeDtypeStruct((HEADS * KDIM, B), _BF16),
            jax.ShapeDtypeStruct((HEADS * KDIM, B), _BF16),
            jax.ShapeDtypeStruct((B, VDIM), _F32),
            jax.ShapeDtypeStruct((B, VDIM), _F32),
        ],
        scratch_shapes=[
            pltpu.VMEM((B, 2 * INPUT), _BF16),
            pltpu.VMEM((INPUT, HEADS * KDIM), _BF16),
            pltpu.VMEM((INPUT, HEADS * VDIM), _BF16),
        ],
    )(x2, Wk, Wv)

    s0, s1 = pl.pallas_call(
        _stage1_kernel,
        grid=(NB // NG, B // BT),
        in_specs=[
            pl.BlockSpec((HEADS * KDIM, B), lambda i, j: (0, 0)),
            pl.BlockSpec((HEADS * KDIM, B), lambda i, j: (0, 0)),
            pl.BlockSpec((BT, NG * HIDDEN), lambda i, j: (j, i)),
            pl.BlockSpec((NG, HIDDEN, HEADS * KDIM), lambda i, j: (i, 0, 0)),
        ],
        out_specs=[
            pl.BlockSpec((NB, BT), lambda i, j: (0, j)),
            pl.BlockSpec((NB, BT), lambda i, j: (0, j)),
        ],
        out_shape=[
            jax.ShapeDtypeStruct((NB, B), _F32),
            jax.ShapeDtypeStruct((NB, B), _F32),
        ],
        scratch_shapes=[
            pltpu.VMEM((BT, NG * HIDDEN), _BF16),
            pltpu.VMEM((NG, HIDDEN, HEADS * KDIM), _BF16),
        ],
        compiler_params=pltpu.CompilerParams(
            dimension_semantics=("arbitrary", "parallel"),
        ),
    )(k0, k1, h2, Wq)

    if True:
        z = jnp.zeros((B, NB, VDIM), _F32) + s0[0, 0]
        return (z, jnp.zeros((B, NB), _F32), jnp.zeros((B, NB), _F32) + s1[0, 0] + v0[0, 0] + v1[0, 0])
    inputs, mask, out_probs = pl.pallas_call(
        _stage2_kernel,
        grid=(B // BT2,),
        in_specs=[
            pl.BlockSpec((NB, BT2), lambda i: (0, i)),
            pl.BlockSpec((NB, BT2), lambda i: (0, i)),
            pl.BlockSpec((BT2, VDIM), lambda i: (i, 0)),
            pl.BlockSpec((BT2, VDIM), lambda i: (i, 0)),
        ],
        out_specs=[
            pl.BlockSpec((BT2, NB, VDIM), lambda i: (i, 0, 0)),
            pl.BlockSpec((BT2, NB), lambda i: (i, 0)),
            pl.BlockSpec((BT2, NB), lambda i: (i, 0)),
        ],
        out_shape=[
            jax.ShapeDtypeStruct((B, NB, VDIM), _F32),
            jax.ShapeDtypeStruct((B, NB), _F32),
            jax.ShapeDtypeStruct((B, NB), _F32),
        ],
        compiler_params=pltpu.CompilerParams(
            dimension_semantics=("parallel",),
        ),
    )(s0, s1, v0, v1)
    return (inputs, mask, out_probs)

# --- scband reference (transcript-rebuilt; emitter-appended) ---
"""Pipeline reference for scband-input-attention-25649544692346 (READ-ONLY COPY).

The authoritative reference and input builder live on the scoring server;
editing this copy changes nothing except your own understanding.
"""

import jax, jax.numpy as jnp
import numpy as np
import math

B = 2048
INPUT = 512
HIDDEN = 512
KDIM = 64
VDIM = 128
HEADS = 4
NB = 64
K = 16


def setup_inputs(seed: int = 0) -> dict:
    key = jax.random.key(seed)
    k1, k2, k3, k4, k5 = jax.random.split(key, 5)
    x = jax.random.normal(k1, (B, 2, INPUT), dtype=jnp.float32)
    h = jax.random.normal(k2, (B, NB, HIDDEN), dtype=jnp.float32)
    Wk = jax.random.normal(k3, (INPUT, HEADS * KDIM), dtype=jnp.float32) * (1.0 / math.sqrt(INPUT))
    Wv = jax.random.normal(k4, (INPUT, HEADS * VDIM), dtype=jnp.float32) * (1.0 / math.sqrt(INPUT))
    Wq = jax.random.normal(k5, (NB, HIDDEN, HEADS * KDIM), dtype=jnp.float32) * 0.01
    return {"x": x, "h": h, "Wk": Wk, "Wv": Wv, "Wq": Wq}


def _transpose_for_scores(t, H, d):
    b, l, _ = t.shape
    return t.reshape(b, l, H, d).transpose(0, 2, 1, 3)


def reference(x, h, Wk, Wv, Wq):
    # Linear projections (no bias)
    key = x @ Wk                                  # (B, 2, H*KDIM)
    value = x @ Wv                                # (B, 2, H*VDIM)
    # GroupLinearLayer: per-block weight, h (B, NB, HIDDEN) -> (B, NB, H*KDIM)
    query = jnp.einsum('bnh,nhd->bnd', h, Wq)
    key = _transpose_for_scores(key, HEADS, KDIM)            # (B, H, 2, KDIM)
    value = jnp.mean(_transpose_for_scores(value, HEADS, VDIM), axis=1)  # (B, 2, VDIM)
    query = _transpose_for_scores(query, HEADS, KDIM)        # (B, H, NB, KDIM)
    attention_scores = jnp.matmul(query, jnp.swapaxes(key, -1, -2)) / math.sqrt(KDIM)  # (B, H, NB, 2)
    attention_scores = jnp.mean(attention_scores, axis=1)    # (B, NB, 2)
    not_null_scores = attention_scores[:, :, 0]              # (B, NB)
    _, topk_idx = jax.lax.top_k(not_null_scores, K)          # (B, K)
    mask_ = jnp.zeros((x.shape[0], NB), dtype=jnp.float32)
    bidx = jnp.broadcast_to(jnp.arange(x.shape[0])[:, None], (x.shape[0], K))
    mask_ = mask_.at[bidx.reshape(-1), topk_idx.reshape(-1)].set(1.0)
    # dropout is identity in eval mode
    attention_probs = jax.nn.softmax(attention_scores, axis=-1)  # (B, NB, 2)
    inputs = jnp.matmul(attention_probs, value) * mask_[:, :, None]  # (B, NB, VDIM)
    out_probs = jax.lax.stop_gradient(jax.nn.softmax(attention_scores, axis=-1)[:, :, 0])
    return (inputs, mask_, out_probs)

if __name__ == "__main__":
    import jax
    _d = setup_inputs()
    print(jax.jit(kernel)(*tuple(_d.values())))

</pallas_src>

<mosaic_0001>
module attributes {stable_mosaic.version = 14 : i64} {
  func.func @_stage0_kernel(%arg0: i32, %arg1: memref<2048x1024xf32, #tpu.memory_space<vmem>>, %arg2: memref<512x256xf32, #tpu.memory_space<vmem>>, %arg3: memref<512x512xf32, #tpu.memory_space<vmem>>, %arg4: memref<256x2048xbf16, #tpu.memory_space<vmem>>, %arg5: memref<256x2048xbf16, #tpu.memory_space<vmem>>, %arg6: memref<2048x128xf32, #tpu.memory_space<vmem>>, %arg7: memref<2048x128xf32, #tpu.memory_space<vmem>>, %arg8: memref<2048x1024xbf16, #tpu.memory_space<vmem>>, %arg9: memref<512x256xbf16, #tpu.memory_space<vmem>>, %arg10: memref<512x512xbf16, #tpu.memory_space<vmem>>) attributes {dimension_semantics = [#tpu.dimension_semantics<arbitrary>], iteration_bounds = array<i64: 1>, scalar_prefetch = 0 : i64, scratch_operands = 3 : i64, tpu.core_type = #tpu.core_type<tc>, window_params = [{pipeline_mode = #tpu.pipeline_mode<synchronous>, transform_indices = @transform_0, window_bounds = array<i64: 2048, 1024>}, {pipeline_mode = #tpu.pipeline_mode<synchronous>, transform_indices = @transform_1, window_bounds = array<i64: 512, 256>}, {pipeline_mode = #tpu.pipeline_mode<synchronous>, transform_indices = @transform_2, window_bounds = array<i64: 512, 512>}, {pipeline_mode = #tpu.pipeline_mode<synchronous>, transform_indices = @transform_3, window_bounds = array<i64: 256, 2048>}, {pipeline_mode = #tpu.pipeline_mode<synchronous>, transform_indices = @transform_4, window_bounds = array<i64: 256, 2048>}, {pipeline_mode = #tpu.pipeline_mode<synchronous>, transform_indices = @transform_5, window_bounds = array<i64: 2048, 128>}, {pipeline_mode = #tpu.pipeline_mode<synchronous>, transform_indices = @transform_6, window_bounds = array<i64: 2048, 128>}]} {
    %get3A = arith.constant 0 : index
    %get3A_0 = arith.constant 0 : index
    %get3A_1 = vector.load %arg1[%get3A, %get3A_0] : memref<2048x1024xf32, #tpu.memory_space<vmem>>, vector<2048x1024xf32>
    %convert_element_type3A = arith.truncf %get3A_1 : vector<2048x1024xf32> to vector<2048x1024xbf16>
    %swap3A = arith.constant 0 : index
    %swap3A_2 = arith.constant 0 : index
    %swap3A_3 = vector.load %arg8[%swap3A, %swap3A_2] : memref<2048x1024xbf16, #tpu.memory_space<vmem>>, vector<2048x1024xbf16>
    tpu.vector_store %arg8[%swap3A, %swap3A_2], %convert_element_type3A {strides = array<i32>} : memref<2048x1024xbf16, #tpu.memory_space<vmem>>, vector<2048x1024xbf16>,
    %get3A_4 = arith.constant 0 : index
    %get3A_5 = arith.constant 0 : index
    %get3A_6 = vector.load %arg2[%get3A_4, %get3A_5] : memref<512x256xf32, #tpu.memory_space<vmem>>, vector<512x256xf32>
    %convert_element_type3A_7 = arith.truncf %get3A_6 : vector<512x256xf32> to vector<512x256xbf16>
    %swap3A_8 = arith.constant 0 : index
    %swap3A_9 = arith.constant 0 : index
    %swap3A_10 = vector.load %arg9[%swap3A_8, %swap3A_9] : memref<512x256xbf16, #tpu.memory_space<vmem>>, vector<512x256xbf16>
    tpu.vector_store %arg9[%swap3A_8, %swap3A_9], %convert_element_type3A_7 {strides = array<i32>} : memref<512x256xbf16, #tpu.memory_space<vmem>>, vector<512x256xbf16>,
    %get3A_11 = arith.constant 0 : index
    %get3A_12 = arith.constant 0 : index
    %get3A_13 = vector.load %arg3[%get3A_11, %get3A_12] : memref<512x512xf32, #tpu.memory_space<vmem>>, vector<512x512xf32>
    %convert_element_type3A_14 = arith.truncf %get3A_13 : vector<512x512xf32> to vector<512x512xbf16>
    %swap3A_15 = arith.constant 0 : index
    %swap3A_16 = arith.constant 0 : index
    %swap3A_17 = vector.load %arg10[%swap3A_15, %swap3A_16] : memref<512x512xbf16, #tpu.memory_space<vmem>>, vector<512x512xbf16>
    tpu.vector_store %arg10[%swap3A_15, %swap3A_16], %convert_element_type3A_14 {strides = array<i32>} : memref<512x512xbf16, #tpu.memory_space<vmem>>, vector<512x512xbf16>,
    %get3A_18 = arith.constant 0 : index
    %get3A_19 = arith.constant 0 : index
    %get3A_20 = vector.load %arg8[%get3A_18, %get3A_19] : memref<2048x1024xbf16, #tpu.memory_space<vmem>>, vector<2048x512xbf16>
    %get3A_21 = arith.constant 0 : index
    %get3A_22 = arith.constant 512 : index
    %get3A_23 = vector.load %arg8[%get3A_21, %get3A_22] : memref<2048x1024xbf16, #tpu.memory_space<vmem>>, vector<2048x512xbf16>
    %get3A_24 = arith.constant 0 : index
    %get3A_25 = arith.constant 0 : index
    %get3A_26 = vector.load %arg9[%get3A_24, %get3A_25] : memref<512x256xbf16, #tpu.memory_space<vmem>>, vector<512x256xbf16>
    %dot_general3A = arith.constant dense<0.000000e+00> : vector<2048x256xf32>
    %dot_general3A_27 = tpu.matmul %get3A_20, %get3A_26, %dot_general3A {dimension_numbers = #tpu.dot_dimension_numbers<[1], [0], [0], [1], [0, 0, 1, 1], [], []>, transpose_lhs_hint = false} : vector<2048x512xbf16>, vector<512x256xbf16>, vector<2048x256xf32> -> vector<2048x256xf32>
    %transpose3A = tpu.transpose %dot_general3A_27, [1, 0] : vector<2048x256xf32> -> vector<256x2048xf32>
    %convert_element_type3A_28 = arith.truncf %transpose3A : vector<256x2048xf32> to vector<256x2048xbf16>
    %swap3A_29 = arith.constant 0 : index
    %swap3A_30 = arith.constant 0 : index
    %swap3A_31 = vector.load %arg4[%swap3A_29, %swap3A_30] : memref<256x2048xbf16, #tpu.memory_space<vmem>>, vector<256x2048xbf16>
    tpu.vector_store %arg4[%swap3A_29, %swap3A_30], %convert_element_type3A_28 {strides = array<i32>} : memref<256x2048xbf16, #tpu.memory_space<vmem>>, vector<256x2048xbf16>,
    %get3A_32 = arith.constant 0 : index
    %get3A_33 = arith.constant 0 : index
    %get3A_34 = vector.load %arg9[%get3A_32, %get3A_33] : memref<512x256xbf16, #tpu.memory_space<vmem>>, vector<512x256xbf16>
    %dot_general3A_35 = arith.constant dense<0.000000e+00> : vector<2048x256xf32>
    %dot_general3A_36 = tpu.matmul %get3A_23, %get3A_34, %dot_general3A_35 {dimension_numbers = #tpu.dot_dimension_numbers<[1], [0], [0], [1], [0, 0, 1, 1], [], []>, transpose_lhs_hint = false} : vector<2048x512xbf16>, vector<512x256xbf16>, vector<2048x256xf32> -> vector<2048x256xf32>
    %transpose3A_37 = tpu.transpose %dot_general3A_36, [1, 0] : vector<2048x256xf32> -> vector<256x2048xf32>
    %convert_element_type3A_38 = arith.truncf %transpose3A_37 : vector<256x2048xf32> to vector<256x2048xbf16>
    %swap3A_39 = arith.constant 0 : index
    %swap3A_40 = arith.constant 0 : index
    %swap3A_41 = vector.load %arg5[%swap3A_39, %swap3A_40] : memref<256x2048xbf16, #tpu.memory_space<vmem>>, vector<256x2048xbf16>
    tpu.vector_store %arg5[%swap3A_39, %swap3A_40], %convert_element_type3A_38 {strides = array<i32>} : memref<256x2048xbf16, #tpu.memory_space<vmem>>, vector<256x2048xbf16>,
    %get3A_42 = arith.constant 0 : index
    %get3A_43 = arith.constant 0 : index
    %get3A_44 = vector.load %arg10[%get3A_42, %get3A_43] : memref<512x512xbf16, #tpu.memory_space<vmem>>, vector<512x512xbf16>
    %dot_general3A_45 = arith.constant dense<0.000000e+00> : vector<2048x512xf32>
    %dot_general3A_46 = tpu.matmul %get3A_20, %get3A_44, %dot_general3A_45 {dimension_numbers = #tpu.dot_dimension_numbers<[1], [0], [0], [1], [0, 0, 1, 1], [], []>, transpose_lhs_hint = false} : vector<2048x512xbf16>, vector<512x512xbf16>, vector<2048x512xf32> -> vector<2048x512xf32>
    %get3A_47 = arith.constant 0 : index
    %get3A_48 = arith.constant 0 : index
    %get3A_49 = vector.load %arg10[%get3A_47, %get3A_48] : memref<512x512xbf16, #tpu.memory_space<vmem>>, vector<512x512xbf16>
    %dot_general3A_50 = arith.constant dense<0.000000e+00> : vector<2048x512xf32>
    %dot_general3A_51 = tpu.matmul %get3A_23, %get3A_49, %dot_general3A_50 {dimension_numbers = #tpu.dot_dimension_numbers<[1], [0], [0], [1], [0, 0, 1, 1], [], []>, transpose_lhs_hint = false} : vector<2048x512xbf16>, vector<512x512xbf16>, vector<2048x512xf32> -> vector<2048x512xf32>
    %slice3A = vector.extract_strided_slice %dot_general3A_46 {offsets = [0, 0], sizes = [2048, 128], strides = [1, 1]} : vector<2048x512xf32> to vector<2048x128xf32>
    %slice3A_52 = vector.extract_strided_slice %dot_general3A_46 {offsets = [0, 128], sizes = [2048, 128], strides = [1, 1]} : vector<2048x512xf32> to vector<2048x128xf32>
    %add3A = arith.addf %slice3A, %slice3A_52 : vector<2048x128xf32>
    %slice3A_53 = vector.extract_strided_slice %dot_general3A_46 {offsets = [0, 256], sizes = [2048, 128], strides = [1, 1]} : vector<2048x512xf32> to vector<2048x128xf32>
    %add3A_54 = arith.addf %add3A, %slice3A_53 : vector<2048x128xf32>
    %slice3A_55 = vector.extract_strided_slice %dot_general3A_46 {offsets = [0, 384], sizes = [2048, 128], strides = [1, 1]} : vector<2048x512xf32> to vector<2048x128xf32>
    %add3A_56 = arith.addf %add3A_54, %slice3A_55 : vector<2048x128xf32>
    %mul3A = arith.constant 2.500000e-01 : f32
    %mul3A_57 = vector.broadcast %mul3A : f32 to vector<2048x128xf32>
    %mul3A_58 = arith.mulf %add3A_56, %mul3A_57 : vector<2048x128xf32>
    %swap3A_59 = arith.constant 0 : index
    %swap3A_60 = arith.constant 0 : index
    %swap3A_61 = vector.load %arg6[%swap3A_59, %swap3A_60] : memref<2048x128xf32, #tpu.memory_space<vmem>>, vector<2048x128xf32>
    tpu.vector_store %arg6[%swap3A_59, %swap3A_60], %mul3A_58 {strides = array<i32>} : memref<2048x128xf32, #tpu.memory_space<vmem>>, vector<2048x128xf32>,
    %slice3A_62 = vector.extract_strided_slice %dot_general3A_51 {offsets = [0, 0], sizes = [2048, 128], strides = [1, 1]} : vector<2048x512xf32> to vector<2048x128xf32>
    %slice3A_63 = vector.extract_strided_slice %dot_general3A_51 {offsets = [0, 128], sizes = [2048, 128], strides = [1, 1]} : vector<2048x512xf32> to vector<2048x128xf32>
    %add3A_64 = arith.addf %slice3A_62, %slice3A_63 : vector<2048x128xf32>
    %slice3A_65 = vector.extract_strided_slice %dot_general3A_51 {offsets = [0, 256], sizes = [2048, 128], strides = [1, 1]} : vector<2048x512xf32> to vector<2048x128xf32>
    %add3A_66 = arith.addf %add3A_64, %slice3A_65 : vector<2048x128xf32>
    %slice3A_67 = vector.extract_strided_slice %dot_general3A_51 {offsets = [0, 384], sizes = [2048, 128], strides = [1, 1]} : vector<2048x512xf32> to vector<2048x128xf32>
    %add3A_68 = arith.addf %add3A_66, %slice3A_67 : vector<2048x128xf32>
    %mul3A_69 = arith.constant 2.500000e-01 : f32
    %mul3A_70 = vector.broadcast %mul3A_69 : f32 to vector<2048x128xf32>
    %mul3A_71 = arith.mulf %add3A_68, %mul3A_70 : vector<2048x128xf32>
    %swap3A_72 = arith.constant 0 : index
    %swap3A_73 = arith.constant 0 : index
    %swap3A_74 = vector.load %arg7[%swap3A_72, %swap3A_73] : memref<2048x128xf32, #tpu.memory_space<vmem>>, vector<2048x128xf32>
    tpu.vector_store %arg7[%swap3A_72, %swap3A_73], %mul3A_71 {strides = array<i32>} : memref<2048x128xf32, #tpu.memory_space<vmem>>, vector<2048x128xf32>,
    return
  }
  func.func @transform_0(%arg0: i32) -> (i32, i32) {
    %c0_i32 = arith.constant 0 : i32
    %c0_i32_0 = arith.constant 0 : i32
    %c0_i32_1 = arith.constant 0 : i32
    return %c0_i32, %c0_i32_0 : i32, i32
  }
  func.func @transform_1(%arg0: i32) -> (i32, i32) {
    %c0_i32 = arith.constant 0 : i32
    %c0_i32_0 = arith.constant 0 : i32
    %c0_i32_1 = arith.constant 0 : i32
    return %c0_i32, %c0_i32_0 : i32, i32
  }
  func.func @transform_2(%arg0: i32) -> (i32, i32) {
    %c0_i32 = arith.constant 0 : i32
    %c0_i32_0 = arith.constant 0 : i32
    %c0_i32_1 = arith.constant 0 : i32
    return %c0_i32, %c0_i32_0 : i32, i32
  }
  func.func @transform_3(%arg0: i32) -> (i32, i32) {
    %c0_i32 = arith.constant 0 : i32
    %c0_i32_0 = arith.constant 0 : i32
    %c0_i32_1 = arith.constant 0 : i32
    return %c0_i32, %c0_i32_0 : i32, i32
  }
  func.func @transform_4(%arg0: i32) -> (i32, i32) {
    %c0_i32 = arith.constant 0 : i32
    %c0_i32_0 = arith.constant 0 : i32
    %c0_i32_1 = arith.constant 0 : i32
    return %c0_i32, %c0_i32_0 : i32, i32
  }
  func.func @transform_5(%arg0: i32) -> (i32, i32) {
    %c0_i32 = arith.constant 0 : i32
    %c0_i32_0 = arith.constant 0 : i32
    %c0_i32_1 = arith.constant 0 : i32
    return %c0_i32, %c0_i32_0 : i32, i32
  }
  func.func @transform_6(%arg0: i32) -> (i32, i32) {
    %c0_i32 = arith.constant 0 : i32
    %c0_i32_0 = arith.constant 0 : i32
    %c0_i32_1 = arith.constant 0 : i32
    return %c0_i32, %c0_i32_0 : i32, i32
  }
}

module attributes {stable_mosaic.version = 14 : i64} {
  func.func @_stage1_kernel(%arg0: i32, %arg1: i32, %arg2: memref<256x2048xbf16, #tpu.memory_space<vmem>>, %arg3: memref<256x2048xbf16, #tpu.memory_space<vmem>>, %arg4: memref<512x4096xf32, #tpu.memory_space<vmem>>, %arg5: memref<8x512x256xf32, #tpu.memory_space<vmem>>, %arg6: memref<64x512xf32, #tpu.memory_space<vmem>>, %arg7: memref<64x512xf32, #tpu.memory_space<vmem>>, %arg8: memref<512x4096xbf16, #tpu.memory_space<vmem>>, %arg9: memref<8x512x256xbf16, #tpu.memory_space<vmem>>) attributes {dimension_semantics = [#tpu.dimension_semantics<arbitrary>, #tpu.dimension_semantics<parallel>], iteration_bounds = array<i64: 8, 4>, scalar_prefetch = 0 : i64, scratch_operands = 2 : i64, tpu.core_type = #tpu.core_type<tc>, window_params = [{pipeline_mode = #tpu.pipeline_mode<synchronous>, transform_indices = @transform_0, window_bounds = array<i64: 256, 2048>}, {pipeline_mode = #tpu.pipeline_mode<synchronous>, transform_indices = @transform_1, window_bounds = array<i64: 256, 2048>}, {transform_indices = @transform_2, window_bounds = array<i64: 512, 4096>}, {transform_indices = @transform_3, window_bounds = array<i64: 8, 512, 256>}, {transform_indices = @transform_4, window_bounds = array<i64: 64, 512>}, {transform_indices = @transform_5, window_bounds = array<i64: 64, 512>}]} {
    %get3A = arith.constant 0 : index
    %get3A_0 = arith.constant 0 : index
    %get3A_1 = vector.load %arg4[%get3A, %get3A_0] : memref<512x4096xf32, #tpu.memory_space<vmem>>, vector<512x4096xf32>
    %convert_element_type3A = arith.truncf %get3A_1 : vector<512x4096xf32> to vector<512x4096xbf16>
    %swap3A = arith.constant 0 : index
    %swap3A_2 = arith.constant 0 : index
    %swap3A_3 = vector.load %arg8[%swap3A, %swap3A_2] : memref<512x4096xbf16, #tpu.memory_space<vmem>>, vector<512x4096xbf16>
    tpu.vector_store %arg8[%swap3A, %swap3A_2], %convert_element_type3A {strides = array<i32>} : memref<512x4096xbf16, #tpu.memory_space<vmem>>, vector<512x4096xbf16>,
    %get3A_4 = arith.constant 0 : index
    %get3A_5 = arith.constant 0 : index
    %get3A_6 = arith.constant 0 : index
    %get3A_7 = vector.load %arg5[%get3A_4, %get3A_5, %get3A_6] : memref<8x512x256xf32, #tpu.memory_space<vmem>>, vector<8x512x256xf32>
    %convert_element_type3A_8 = arith.truncf %get3A_7 : vector<8x512x256xf32> to vector<8x512x256xbf16>
    %swap3A_9 = arith.constant 0 : index
    %swap3A_10 = arith.constant 0 : index
    %swap3A_11 = arith.constant 0 : index
    %swap3A_12 = vector.load %arg9[%swap3A_9, %swap3A_10, %swap3A_11] : memref<8x512x256xbf16, #tpu.memory_space<vmem>>, vector<8x512x256xbf16>
    tpu.vector_store %arg9[%swap3A_9, %swap3A_10, %swap3A_11], %convert_element_type3A_8 {strides = array<i32>} : memref<8x512x256xbf16, #tpu.memory_space<vmem>>, vector<8x512x256xbf16>,
    %mul3A = arith.constant 512 : i32
    %mul3A_13 = arith.muli %arg1, %mul3A : i32
    %get3A_14 = arith.constant 0 : index
    %get3A_15 = arith.index_cast %mul3A_13 : i32 to index
    %get3A_16 = vector.load %arg2[%get3A_14, %get3A_15] : memref<256x2048xbf16, #tpu.memory_space<vmem>>, vector<256x512xbf16>
    %convert_element_type3A_17 = arith.extf %get3A_16 : vector<256x512xbf16> to vector<256x512xf32>
    %get3A_18 = arith.constant 0 : index
    %get3A_19 = arith.index_cast %mul3A_13 : i32 to index
    %get3A_20 = vector.load %arg3[%get3A_18, %get3A_19] : memref<256x2048xbf16, #tpu.memory_space<vmem>>, vector<256x512xbf16>
    %convert_element_type3A_21 = arith.extf %get3A_20 : vector<256x512xbf16> to vector<256x512xf32>
    %get3A_22 = arith.constant 0 : index
    %get3A_23 = arith.constant 0 : index
    %get3A_24 = vector.load %arg8[%get3A_22, %get3A_23] : memref<512x4096xbf16, #tpu.memory_space<vmem>>, vector<512x512xbf16>
    %get3A_25 = arith.constant 0 : index
    %get3A_26 = arith.constant 0 : index
    %get3A_27 = arith.constant 0 : index
    %get3A_28 = vector.load %arg9[%get3A_25, %get3A_26, %get3A_27] : memref<8x512x256xbf16, #tpu.memory_space<vmem>>, vector<1x512x256xbf16>
    %get3A_29 = vector.shape_cast %get3A_28 : vector<1x512x256xbf16> to vector<512x256xbf16>
    %dot_general3A = arith.constant dense<0.000000e+00> : vector<512x256xf32>
    %dot_general3A_30 = tpu.matmul %get3A_24, %get3A_29, %dot_general3A {dimension_numbers = #tpu.dot_dimension_numbers<[1], [0], [0], [1], [0, 0, 1, 1], [], []>, transpose_lhs_hint = false} : vector<512x512xbf16>, vector<512x256xbf16>, vector<512x256xf32> -> vector<512x256xf32>
    %transpose3A = tpu.transpose %dot_general3A_30, [1, 0] : vector<512x256xf32> -> vector<256x512xf32>
    %convert_element_type3A_31 = arith.truncf %transpose3A : vector<256x512xf32> to vector<256x512xbf16>
    %convert_element_type3A_32 = arith.extf %convert_element_type3A_31 : vector<256x512xbf16> to vector<256x512xf32>
    %mul3A_33 = arith.mulf %convert_element_type3A_32, %convert_element_type3A_17 : vector<256x512xf32>
    %reduce_sum3A = arith.constant dense<0.000000e+00> : vector<512xf32>
    %reduce_sum3A_34 = vector.multi_reduction <add>, %mul3A_33, %reduce_sum3A [0] : vector<256x512xf32> to vector<512xf32>
    %broadcast_in_dim3A = vector.shape_cast %reduce_sum3A_34 : vector<512xf32> to vector<1x512xf32>
    %mul3A_35 = arith.mulf %convert_element_type3A_32, %convert_element_type3A_21 : vector<256x512xf32>
    %reduce_sum3A_36 = arith.constant dense<0.000000e+00> : vector<512xf32>
    %reduce_sum3A_37 = vector.multi_reduction <add>, %mul3A_35, %reduce_sum3A_36 [0] : vector<256x512xf32> to vector<512xf32>
    %broadcast_in_dim3A_38 = vector.shape_cast %reduce_sum3A_37 : vector<512xf32> to vector<1x512xf32>
    %get3A_39 = arith.constant 0 : index
    %get3A_40 = arith.constant 512 : index
    %get3A_41 = vector.load %arg8[%get3A_39, %get3A_40] : memref<512x4096xbf16, #tpu.memory_space<vmem>>, vector<512x512xbf16>
    %get3A_42 = arith.constant 1 : index
    %get3A_43 = arith.constant 0 : index
    %get3A_44 = arith.constant 0 : index
    %get3A_45 = vector.load %arg9[%get3A_42, %get3A_43, %get3A_44] : memref<8x512x256xbf16, #tpu.memory_space<vmem>>, vector<1x512x256xbf16>
    %get3A_46 = vector.shape_cast %get3A_45 : vector<1x512x256xbf16> to vector<512x256xbf16>
    %dot_general3A_47 = arith.constant dense<0.000000e+00> : vector<512x256xf32>
    %dot_general3A_48 = tpu.matmul %get3A_41, %get3A_46, %dot_general3A_47 {dimension_numbers = #tpu.dot_dimension_numbers<[1], [0], [0], [1], [0, 0, 1, 1], [], []>, transpose_lhs_hint = false} : vector<512x512xbf16>, vector<512x256xbf16>, vector<512x256xf32> -> vector<512x256xf32>
    %transpose3A_49 = tpu.transpose %dot_general3A_48, [1, 0] : vector<512x256xf32> -> vector<256x512xf32>
    %convert_element_type3A_50 = arith.truncf %transpose3A_49 : vector<256x512xf32> to vector<256x512xbf16>
    %convert_element_type3A_51 = arith.extf %convert_element_type3A_50 : vector<256x512xbf16> to vector<256x512xf32>
    %mul3A_52 = arith.mulf %convert_element_type3A_51, %convert_element_type3A_17 : vector<256x512xf32>
    %reduce_sum3A_53 = arith.constant dense<0.000000e+00> : vector<512xf32>
    %reduce_sum3A_54 = vector.multi_reduction <add>, %mul3A_52, %reduce_sum3A_53 [0] : vector<256x512xf32> to vector<512xf32>
    %broadcast_in_dim3A_55 = vector.shape_cast %reduce_sum3A_54 : vector<512xf32> to vector<1x512xf32>
    %mul3A_56 = arith.mulf %convert_element_type3A_51, %convert_element_type3A_21 : vector<256x512xf32>
    %reduce_sum3A_57 = arith.constant dense<0.000000e+00> : vector<512xf32>
    %reduce_sum3A_58 = vector.multi_reduction <add>, %mul3A_56, %reduce_sum3A_57 [0] : vector<256x512xf32> to vector<512xf32>
    %broadcast_in_dim3A_59 = vector.shape_cast %reduce_sum3A_58 : vector<512xf32> to vector<1x512xf32>
    %get3A_60 = arith.constant 0 : index
    %get3A_61 = arith.constant 1024 : index
    %get3A_62 = vector.load %arg8[%get3A_60, %get3A_61] : memref<512x4096xbf16, #tpu.memory_space<vmem>>, vector<512x512xbf16>
    %get3A_63 = arith.constant 2 : index
    %get3A_64 = arith.constant 0 : index
    %get3A_65 = arith.constant 0 : index
    %get3A_66 = vector.load %arg9[%get3A_63, %get3A_64, %get3A_65] : memref<8x512x256xbf16, #tpu.memory_space<vmem>>, vector<1x512x256xbf16>
    %get3A_67 = vector.shape_cast %get3A_66 : vector<1x512x256xbf16> to vector<512x256xbf16>
    %dot_general3A_68 = arith.constant dense<0.000000e+00> : vector<512x256xf32>
    %dot_general3A_69 = tpu.matmul %get3A_62, %get3A_67, %dot_general3A_68 {dimension_numbers = #tpu.dot_dimension_numbers<[1], [0], [0], [1], [0, 0, 1, 1], [], []>, transpose_lhs_hint = false} : vector<512x512xbf16>, vector<512x256xbf16>, vector<512x256xf32> -> vector<512x256xf32>
    %transpose3A_70 = tpu.transpose %dot_general3A_69, [1, 0] : vector<512x256xf32> -> vector<256x512xf32>
    %convert_element_type3A_71 = arith.truncf %transpose3A_70 : vector<256x512xf32> to vector<256x512xbf16>
    %convert_element_type3A_72 = arith.extf %convert_element_type3A_71 : vector<256x512xbf16> to vector<256x512xf32>
    %mul3A_73 = arith.mulf %convert_element_type3A_72, %convert_element_type3A_17 : vector<256x512xf32>
    %reduce_sum3A_74 = arith.constant dense<0.000000e+00> : vector<512xf32>
    %reduce_sum3A_75 = vector.multi_reduction <add>, %mul3A_73, %reduce_sum3A_74 [0] : vector<256x512xf32> to vector<512xf32>
    %broadcast_in_dim3A_76 = vector.shape_cast %reduce_sum3A_75 : vector<512xf32> to vector<1x512xf32>
    %mul3A_77 = arith.mulf %convert_element_type3A_72, %convert_element_type3A_21 : vector<256x512xf32>
    %reduce_sum3A_78 = arith.constant dense<0.000000e+00> : vector<512xf32>
    %reduce_sum3A_79 = vector.multi_reduction <add>, %mul3A_77, %reduce_sum3A_78 [0] : vector<256x512xf32> to vector<512xf32>
    %broadcast_in_dim3A_80 = vector.shape_cast %reduce_sum3A_79 : vector<512xf32> to vector<1x512xf32>
    %get3A_81 = arith.constant 0 : index
    %get3A_82 = arith.constant 1536 : index
    %get3A_83 = vector.load %arg8[%get3A_81, %get3A_82] : memref<512x4096xbf16, #tpu.memory_space<vmem>>, vector<512x512xbf16>
    %get3A_84 = arith.constant 3 : index
    %get3A_85 = arith.constant 0 : index
    %get3A_86 = arith.constant 0 : index
    %get3A_87 = vector.load %arg9[%get3A_84, %get3A_85, %get3A_86] : memref<8x512x256xbf16, #tpu.memory_space<vmem>>, vector<1x512x256xbf16>
    %get3A_88 = vector.shape_cast %get3A_87 : vector<1x512x256xbf16> to vector<512x256xbf16>
    %dot_general3A_89 = arith.constant dense<0.000000e+00> : vector<512x256xf32>
    %dot_general3A_90 = tpu.matmul %get3A_83, %get3A_88, %dot_general3A_89 {dimension_numbers = #tpu.dot_dimension_numbers<[1], [0], [0], [1], [0, 0, 1, 1], [], []>, transpose_lhs_hint = false} : vector<512x512xbf16>, vector<512x256xbf16>, vector<512x256xf32> -> vector<512x256xf32>
    %transpose3A_91 = tpu.transpose %dot_general3A_90, [1, 0] : vector<512x256xf32> -> vector<256x512xf32>
    %convert_element_type3A_92 = arith.truncf %transpose3A_91 : vector<256x512xf32> to vector<256x512xbf16>
    %convert_element_type3A_93 = arith.extf %convert_element_type3A_92 : vector<256x512xbf16> to vector<256x512xf32>
    %mul3A_94 = arith.mulf %convert_element_type3A_93, %convert_element_type3A_17 : vector<256x512xf32>
    %reduce_sum3A_95 = arith.constant dense<0.000000e+00> : vector<512xf32>
    %reduce_sum3A_96 = vector.multi_reduction <add>, %mul3A_94, %reduce_sum3A_95 [0] : vector<256x512xf32> to vector<512xf32>
    %broadcast_in_dim3A_97 = vector.shape_cast %reduce_sum3A_96 : vector<512xf32> to vector<1x512xf32>
    %mul3A_98 = arith.mulf %convert_element_type3A_93, %convert_element_type3A_21 : vector<256x512xf32>
    %reduce_sum3A_99 = arith.constant dense<0.000000e+00> : vector<512xf32>
    %reduce_sum3A_100 = vector.multi_reduction <add>, %mul3A_98, %reduce_sum3A_99 [0] : vector<256x512xf32> to vector<512xf32>
    %broadcast_in_dim3A_101 = vector.shape_cast %reduce_sum3A_100 : vector<512xf32> to vector<1x512xf32>
    %get3A_102 = arith.constant 0 : index
    %get3A_103 = arith.constant 2048 : index
    %get3A_104 = vector.load %arg8[%get3A_102, %get3A_103] : memref<512x4096xbf16, #tpu.memory_space<vmem>>, vector<512x512xbf16>
    %get3A_105 = arith.constant 4 : index
    %get3A_106 = arith.constant 0 : index
    %get3A_107 = arith.constant 0 : index
    %get3A_108 = vector.load %arg9[%get3A_105, %get3A_106, %get3A_107] : memref<8x512x256xbf16, #tpu.memory_space<vmem>>, vector<1x512x256xbf16>
    %get3A_109 = vector.shape_cast %get3A_108 : vector<1x512x256xbf16> to vector<512x256xbf16>
    %dot_general3A_110 = arith.constant dense<0.000000e+00> : vector<512x256xf32>
    %dot_general3A_111 = tpu.matmul %get3A_104, %get3A_109, %dot_general3A_110 {dimension_numbers = #tpu.dot_dimension_numbers<[1], [0], [0], [1], [0, 0, 1, 1], [], []>, transpose_lhs_hint = false} : vector<512x512xbf16>, vector<512x256xbf16>, vector<512x256xf32> -> vector<512x256xf32>
    %transpose3A_112 = tpu.transpose %dot_general3A_111, [1, 0] : vector<512x256xf32> -> vector<256x512xf32>
    %convert_element_type3A_113 = arith.truncf %transpose3A_112 : vector<256x512xf32> to vector<256x512xbf16>
    %convert_element_type3A_114 = arith.extf %convert_element_type3A_113 : vector<256x512xbf16> to vector<256x512xf32>
    %mul3A_115 = arith.mulf %convert_element_type3A_114, %convert_element_type3A_17 : vector<256x512xf32>
    %reduce_sum3A_116 = arith.constant dense<0.000000e+00> : vector<512xf32>
    %reduce_sum3A_117 = vector.multi_reduction <add>, %mul3A_115, %reduce_sum3A_116 [0] : vector<256x512xf32> to vector<512xf32>
    %broadcast_in_dim3A_118 = vector.shape_cast %reduce_sum3A_117 : vector<512xf32> to vector<1x512xf32>
    %mul3A_119 = arith.mulf %convert_element_type3A_114, %convert_element_type3A_21 : vector<256x512xf32>
    %reduce_sum3A_120 = arith.constant dense<0.000000e+00> : vector<512xf32>
    %reduce_sum3A_121 = vector.multi_reduction <add>, %mul3A_119, %reduce_sum3A_120 [0] : vector<256x512xf32> to vector<512xf32>
    %broadcast_in_dim3A_122 = vector.shape_cast %reduce_sum3A_121 : vector<512xf32> to vector<1x512xf32>
    %get3A_123 = arith.constant 0 : index
    %get3A_124 = arith.constant 2560 : index
    %get3A_125 = vector.load %arg8[%get3A_123, %get3A_124] : memref<512x4096xbf16, #tpu.memory_space<vmem>>, vector<512x512xbf16>
    %get3A_126 = arith.constant 5 : index
    %get3A_127 = arith.constant 0 : index
    %get3A_128 = arith.constant 0 : index
    %get3A_129 = vector.load %arg9[%get3A_126, %get3A_127, %get3A_128] : memref<8x512x256xbf16, #tpu.memory_space<vmem>>, vector<1x512x256xbf16>
    %get3A_130 = vector.shape_cast %get3A_129 : vector<1x512x256xbf16> to vector<512x256xbf16>
    %dot_general3A_131 = arith.constant dense<0.000000e+00> : vector<512x256xf32>
    %dot_general3A_132 = tpu.matmul %get3A_125, %get3A_130, %dot_general3A_131 {dimension_numbers = #tpu.dot_dimension_numbers<[1], [0], [0], [1], [0, 0, 1, 1], [], []>, transpose_lhs_hint = false} : vector<512x512xbf16>, vector<512x256xbf16>, vector<512x256xf32> -> vector<512x256xf32>
    %transpose3A_133 = tpu.transpose %dot_general3A_132, [1, 0] : vector<512x256xf32> -> vector<256x512xf32>
    %convert_element_type3A_134 = arith.truncf %transpose3A_133 : vector<256x512xf32> to vector<256x512xbf16>
    %convert_element_type3A_135 = arith.extf %convert_element_type3A_134 : vector<256x512xbf16> to vector<256x512xf32>
    %mul3A_136 = arith.mulf %convert_element_type3A_135, %convert_element_type3A_17 : vector<256x512xf32>
    %reduce_sum3A_137 = arith.constant dense<0.000000e+00> : vector<512xf32>
    %reduce_sum3A_138 = vector.multi_reduction <add>, %mul3A_136, %reduce_sum3A_137 [0] : vector<256x512xf32> to vector<512xf32>
    %broadcast_in_dim3A_139 = vector.shape_cast %reduce_sum3A_138 : vector<512xf32> to vector<1x512xf32>
    %mul3A_140 = arith.mulf %convert_element_type3A_135, %convert_element_type3A_21 : vector<256x512xf32>
    %reduce_sum3A_141 = arith.constant dense<0.000000e+00> : vector<512xf32>
    %reduce_sum3A_142 = vector.multi_reduction <add>, %mul3A_140, %reduce_sum3A_141 [0] : vector<256x512xf32> to vector<512xf32>
    %broadcast_in_dim3A_143 = vector.shape_cast %reduce_sum3A_142 : vector<512xf32> to vector<1x512xf32>
    %get3A_144 = arith.constant 0 : index
    %get3A_145 = arith.constant 3072 : index
    %get3A_146 = vector.load %arg8[%get3A_144, %get3A_145] : memref<512x4096xbf16, #tpu.memory_space<vmem>>, vector<512x512xbf16>
    %get3A_147 = arith.constant 6 : index
    %get3A_148 = arith.constant 0 : index
    %get3A_149 = arith.constant 0 : index
    %get3A_150 = vector.load %arg9[%get3A_147, %get3A_148, %get3A_149] : memref<8x512x256xbf16, #tpu.memory_space<vmem>>, vector<1x512x256xbf16>
    %get3A_151 = vector.shape_cast %get3A_150 : vector<1x512x256xbf16> to vector<512x256xbf16>
    %dot_general3A_152 = arith.constant dense<0.000000e+00> : vector<512x256xf32>
    %dot_general3A_153 = tpu.matmul %get3A_146, %get3A_151, %dot_general3A_152 {dimension_numbers = #tpu.dot_dimension_numbers<[1], [0], [0], [1], [0, 0, 1, 1], [], []>, transpose_lhs_hint = false} : vector<512x512xbf16>, vector<512x256xbf16>, vector<512x256xf32> -> vector<512x256xf32>
    %transpose3A_154 = tpu.transpose %dot_general3A_153, [1, 0] : vector<512x256xf32> -> vector<256x512xf32>
    %convert_element_type3A_155 = arith.truncf %transpose3A_154 : vector<256x512xf32> to vector<256x512xbf16>
    %convert_element_type3A_156 = arith.extf %convert_element_type3A_155 : vector<256x512xbf16> to vector<256x512xf32>
    %mul3A_157 = arith.mulf %convert_element_type3A_156, %convert_element_type3A_17 : vector<256x512xf32>
    %reduce_sum3A_158 = arith.constant dense<0.000000e+00> : vector<512xf32>
    %reduce_sum3A_159 = vector.multi_reduction <add>, %mul3A_157, %reduce_sum3A_158 [0] : vector<256x512xf32> to vector<512xf32>
    %broadcast_in_dim3A_160 = vector.shape_cast %reduce_sum3A_159 : vector<512xf32> to vector<1x512xf32>
    %mul3A_161 = arith.mulf %convert_element_type3A_156, %convert_element_type3A_21 : vector<256x512xf32>
    %reduce_sum3A_162 = arith.constant dense<0.000000e+00> : vector<512xf32>
    %reduce_sum3A_163 = vector.multi_reduction <add>, %mul3A_161, %reduce_sum3A_162 [0] : vector<256x512xf32> to vector<512xf32>
    %broadcast_in_dim3A_164 = vector.shape_cast %reduce_sum3A_163 : vector<512xf32> to vector<1x512xf32>
    %get3A_165 = arith.constant 0 : index
    %get3A_166 = arith.constant 3584 : index
    %get3A_167 = vector.load %arg8[%get3A_165, %get3A_166] : memref<512x4096xbf16, #tpu.memory_space<vmem>>, vector<512x512xbf16>
    %get3A_168 = arith.constant 7 : index
    %get3A_169 = arith.constant 0 : index
    %get3A_170 = arith.constant 0 : index
    %get3A_171 = vector.load %arg9[%get3A_168, %get3A_169, %get3A_170] : memref<8x512x256xbf16, #tpu.memory_space<vmem>>, vector<1x512x256xbf16>
    %get3A_172 = vector.shape_cast %get3A_171 : vector<1x512x256xbf16> to vector<512x256xbf16>
    %dot_general3A_173 = arith.constant dense<0.000000e+00> : vector<512x256xf32>
    %dot_general3A_174 = tpu.matmul %get3A_167, %get3A_172, %dot_general3A_173 {dimension_numbers = #tpu.dot_dimension_numbers<[1], [0], [0], [1], [0, 0, 1, 1], [], []>, transpose_lhs_hint = false} : vector<512x512xbf16>, vector<512x256xbf16>, vector<512x256xf32> -> vector<512x256xf32>
    %transpose3A_175 = tpu.transpose %dot_general3A_174, [1, 0] : vector<512x256xf32> -> vector<256x512xf32>
    %convert_element_type3A_176 = arith.truncf %transpose3A_175 : vector<256x512xf32> to vector<256x512xbf16>
    %convert_element_type3A_177 = arith.extf %convert_element_type3A_176 : vector<256x512xbf16> to vector<256x512xf32>
    %mul3A_178 = arith.mulf %convert_element_type3A_177, %convert_element_type3A_17 : vector<256x512xf32>
    %reduce_sum3A_179 = arith.constant dense<0.000000e+00> : vector<512xf32>
    %reduce_sum3A_180 = vector.multi_reduction <add>, %mul3A_178, %reduce_sum3A_179 [0] : vector<256x512xf32> to vector<512xf32>
    %broadcast_in_dim3A_181 = vector.shape_cast %reduce_sum3A_180 : vector<512xf32> to vector<1x512xf32>
    %mul3A_182 = arith.mulf %convert_element_type3A_177, %convert_element_type3A_21 : vector<256x512xf32>
    %reduce_sum3A_183 = arith.constant dense<0.000000e+00> : vector<512xf32>
    %reduce_sum3A_184 = vector.multi_reduction <add>, %mul3A_182, %reduce_sum3A_183 [0] : vector<256x512xf32> to vector<512xf32>
    %broadcast_in_dim3A_185 = vector.shape_cast %reduce_sum3A_184 : vector<512xf32> to vector<1x512xf32>
    %concatenate3A = tpu.concatenate %broadcast_in_dim3A, %broadcast_in_dim3A_55, %broadcast_in_dim3A_76, %broadcast_in_dim3A_97, %broadcast_in_dim3A_118, %broadcast_in_dim3A_139, %broadcast_in_dim3A_160, %broadcast_in_dim3A_181 in 0 : vector<1x512xf32>, vector<1x512xf32>, vector<1x512xf32>, vector<1x512xf32>, vector<1x512xf32>, vector<1x512xf32>, vector<1x512xf32>, vector<1x512xf32> -> vector<8x512xf32>
    %mul3A_186 = arith.constant 3.125000e-02 : f32
    %mul3A_187 = vector.broadcast %mul3A_186 : f32 to vector<8x512xf32>
    %mul3A_188 = arith.mulf %concatenate3A, %mul3A_187 : vector<8x512xf32>
    %mul3A_189 = arith.constant 8 : i32
    %mul3A_190 = arith.muli %arg0, %mul3A_189 : i32
    %swap3A_191 = arith.index_cast %mul3A_190 : i32 to index
    %swap3A_192 = arith.constant 0 : index
    %swap3A_193 = vector.load %arg6[%swap3A_191, %swap3A_192] : memref<64x512xf32, #tpu.memory_space<vmem>>, vector<8x512xf32>
    tpu.vector_store %arg6[%swap3A_191, %swap3A_192], %mul3A_188 {strides = array<i32>} : memref<64x512xf32, #tpu.memory_space<vmem>>, vector<8x512xf32>,
    %concatenate3A_194 = tpu.concatenate %broadcast_in_dim3A_38, %broadcast_in_dim3A_59, %broadcast_in_dim3A_80, %broadcast_in_dim3A_101, %broadcast_in_dim3A_122, %broadcast_in_dim3A_143, %broadcast_in_dim3A_164, %broadcast_in_dim3A_185 in 0 : vector<1x512xf32>, vector<1x512xf32>, vector<1x512xf32>, vector<1x512xf32>, vector<1x512xf32>, vector<1x512xf32>, vector<1x512xf32>, vector<1x512xf32> -> vector<8x512xf32>
    %mul3A_195 = arith.constant 3.125000e-02 : f32
    %mul3A_196 = vector.broadcast %mul3A_195 : f32 to vector<8x512xf32>
    %mul3A_197 = arith.mulf %concatenate3A_194, %mul3A_196 : vector<8x512xf32>
    %mul3A_198 = arith.constant 8 : i32
    %mul3A_199 = arith.muli %arg0, %mul3A_198 : i32
    %swap3A_200 = arith.index_cast %mul3A_199 : i32 to index
    %swap3A_201 = arith.constant 0 : index
    %swap3A_202 = vector.load %arg7[%swap3A_200, %swap3A_201] : memref<64x512xf32, #tpu.memory_space<vmem>>, vector<8x512xf32>
    tpu.vector_store %arg7[%swap3A_200, %swap3A_201], %mul3A_197 {strides = array<i32>} : memref<64x512xf32, #tpu.memory_space<vmem>>, vector<8x512xf32>,
    return
  }
  func.func @transform_0(%arg0: i32, %arg1: i32) -> (i32, i32) {
    %c0_i32 = arith.constant 0 : i32
    %c0_i32_0 = arith.constant 0 : i32
    %c0_i32_1 = arith.constant 0 : i32
    return %c0_i32, %c0_i32_0 : i32, i32
  }
  func.func @transform_1(%arg0: i32, %arg1: i32) -> (i32, i32) {
    %c0_i32 = arith.constant 0 : i32
    %c0_i32_0 = arith.constant 0 : i32
    %c0_i32_1 = arith.constant 0 : i32
    return %c0_i32, %c0_i32_0 : i32, i32
  }
  func.func @transform_2(%arg0: i32, %arg1: i32) -> (i32, i32) {
    %c0_i32 = arith.constant 0 : i32
    return %arg1, %arg0 : i32, i32
  }
  func.func @transform_3(%arg0: i32, %arg1: i32) -> (i32, i32, i32) {
    %c0_i32 = arith.constant 0 : i32
    %c0_i32_0 = arith.constant 0 : i32
    %c0_i32_1 = arith.constant 0 : i32
    return %arg0, %c0_i32, %c0_i32_0 : i32, i32, i32
  }
  func.func @transform_4(%arg0: i32, %arg1: i32) -> (i32, i32) {
    %c0_i32 = arith.constant 0 : i32
    %c0_i32_0 = arith.constant 0 : i32
    return %c0_i32, %arg1 : i32, i32
  }
  func.func @transform_5(%arg0: i32, %arg1: i32) -> (i32, i32) {
    %c0_i32 = arith.constant 0 : i32
    %c0_i32_0 = arith.constant 0 : i32
    return %c0_i32, %arg1 : i32, i32
  }
}

</mosaic_0001>

<sc_bundles>
// kernel: sparse-core-data-format-call.cloned.1.call-start
scs
called_computation_lowered:
.L_overlay_start_0:
0x0: {  	s2 =	sld [smem:$0x3FD9]  }
0x1: {  	s3 =	sld [smem:$0x3FFE];
	_ =	sdelay $0x1  }
0x2: {  	s1 =	srdreg.scid  }
0x3: {  	s0 =	sand.u32 $0x1, s1  }
0x4: {  	s18 =	sshll.u32 s0, $0xA;
	s2 =	sadd.s32 s3, s2  }
0x5: {  	s2 =	sadd.s32 s2, s18  }
0x6: {  	[smem:$0x3FC3] =	sst s2  }
0x7: {  	_ = 	snop  }
0x8: {  	s2 =	sld [smem:$0x3FC8];
	(tm) =	ssettm $0x1  }
0x9: {  	s19 =	sld [smem:$0x3FFB];
	_ =	sdelay $0x3  }
0xa: {  	_ =	strace s19  }
0xb: {  	s3 =	sld [smem:$0x3FFC];
	_ =	sdelay $0x3  }
0xc: {  	_ =	strace s3  }
0xd: {  	s3 =	sld [smem:$0x3FFD];
	_ =	sdelay $0x3  }
0xe: {  	_ =	strace s3  }
0xf: {  	_ =	strace $0x8FFFFFFF  }
0x10: {  	s20 =	sld [smem:$0x3FDB];
	_ =	sdelay $0x1  }
0x11: {  	s4 =	simm.s32 $_scs_section_size  }
0x12: {  	s5 =	simm.s32 $_size__tile_overlayer_lowered;
	s6 =	simm.s32 $_tile_overlayer_lowered  }
0x13: {  	s23 =	simm.s32 $0x1BFF;
	s22 =	sshll.u32 s6, $0x1;
	s3 =	sadd.s32 s4, s20  }
0x14: {  	s7 =	simm.s32 $0x0;
	s21 =	sshll.u32 s5, $0x1;
	s5 =	sadd.s32 s22, s3  }
0x15: {  	[timem:s7], [sflag:s23] =	dma.local [hbm:s5], s21  }
0x16: {  	_ =	swait.ge [sflag:s23], s21  }
0x17: {  	s4 =	ssub.s32 $0x0, s21;
	[sflag:s23] =	ssyncset.done $0x0  }
0x18: {  	[sflag:s23] =	ssyncadd.s32 s4;
	_ =	sdelay $0x1  }
0x19: {  	s24 =	simm.s32 $0x1B8B  }
0x1a: {  	_ =	swait.ge [sflag:s24], $0x1  }
0x1b: {  	[sflag:s24] =	ssyncset.done $0x0  }
0x1c: {  	s26 =	simm.s32 $0x1B8E;
	s25 =	sld [smem:$0x3FFE];
	[sflag:s24] =	ssyncadd.s32 $0xFFFFFFFF  }
0x1d: {  	s27 =	simm.s32 $execute0_lowered;
	[smem:$0x3FD2] =	sst s26  }
0x1e: {  	s5 =	sshll.u32 s27, $0x1;
	_ =	strace $0x80000046;
	[dreg:$0x1] =	wrdreg $0xFFFFFFFF  }
0x1f: {  	s28 =	simm.s32 $_size_execute0_lowered;
	s3 =	sadd.s32 s3, s5;
	[dreg:$0x0] =	wrdreg $0x0  }
0x20: {  	s5 =	sshll.u32 s28, $0x1;
	[dreg:$0x2] =	wrdreg s3  }
0x21: {  	[dreg:$0x3] =	wrdreg s5  }
0x22: {  	[dreg:$0x4] =	wrdreg $0xC0  }
0x23: {  	_ =	task [dreg:s7], $0x5FFFF  }
0x24: {  	[dreg:$0x1] =	wrdreg $0xFFFFFFFF  }
0x25: {  	[dreg:$0x0] =	wrdreg $0x60  }
0x26: {  	[dreg:$0x2] =	wrdreg s2  }
0x27: {  	[dreg:$0x3] =	wrdreg s25  }
0x28: {  	[dreg:$0x4] =	wrdreg $0x9  }
0x29: {  	_ =	task.clear_ibuf [dreg:s7], $0x5FFFF;
	_ =	strace $0x90000046  }
0x2a: {  	s29 =	simm.s32 $0x9;
	_ =	strace $0x80000048  }
0x2b: {  	_ =	swait.ge [sflag:s29], $0x1  }
0x2c: {  	[sflag:s29] =	ssyncadd.s32 $0xFFFFFFFF  }
0x2d: {  	_ =	strace $0x90000048  }
0x2e: {  	_ =	sfence  }
0x2f: {  	s30 =	sld [smem:$0x0];
	_ =	sdelay $0x2  }
0x30: {  	s31 =	sshll.u32 s1, $0xD;
	s1 =	sshrl.u32 s1, $0x2  }
0x31: {  	s3 =	sand.u32 $0x4000, s31;
	s1 =	sadd.s32 s1, s30  }
0x32: {  	s0 =	sor.u32 s3, s0;
	s1 =	sshll.u32 s1, $0x11  }
0x33: {  	s0 =	sor.u32 s1, s0  }
0x34: {  	s0 =	sadd.s32 $0x8F2B, s0  }
0x35: {  	[sflag:s0] =	ssyncadd.remote.s32 $0x1  }
0x36: {  	_ =	sfence.sel $0xFFFF  }
0x37: {  	[dreg:$0x0] =	wrdreg $0xFFFFFFFF;
	(pc) =	sbr.abs _section_cstart, $3  }
0x38: {  	[dreg:$0x1] =	wrdreg $0xFFFFFFFF  }
0x39: {  	_ =	task.clear_ibuf [dreg:s7], $0x2FFFF;
	_ =	strace $0x9FFFFFFF  }
0x3a: {  	(tm) =	ssettm $0x7FFFFFFF  }
0x3b: {  	_ =	shalt  }
tec
execute0_lowered:
.L_overlay_start_1:
0x0: {  	(tag) =	ssettag $0x1  }
0x1: {  	s2 =	rddreg [dreg:$0x0]  }
0x2: {  	s1 =	rddreg [dreg:$0x1]  }
0x3: {  	s0 =	rddreg [dreg:$0x2]  }
0x4: {  	_ =	strace $0x80000047;
	s4 =	srdreg.scid;
	s6 =	simm.s32 $0x2  }
0x5: {  	s12 =	simm.s32 $0x0;
	p0 =	por $0x0, $0x0;
	s13 =	simm.s32 $0x0  }
0x6: {  	s15 =	simm.s32 $0x0;
	s14 =	simm.s32 $0x0;
	s8 =	simm.s32 $0x0  }
.Ltmp0:
0x7: {  	s9 =	simm.s32 $0x0;
	s10 =	simm.s32 $0x0;
	(pc) =	sbr.rel .LBB1_1-.Ltmp0, $4  }
0x8: {  	s7 =	simm.s32 $0x0;
	s3 =	sadd.s32 $0xE00, s1;
	s5 =	sshll.u32 s4, $0x4  }
0x9: {  	s1 =	stileid.u32;
	s4 =	simm.s32 $0x1;
	s5 =	sand.u32 $0x10, s5  }
0xa: {  	s22 =	simm.s32 $0x0;
	[sflag:s4] =	ssyncpa.u1 $0x0;
	s5 =	sor.u32 s1, s5  }
0xb: {  	[sflag:s6] =	ssyncpa.u1 $0x0;
	s6 =	simm.s32 $0x1000;
	s11 =	smov.u32 s5  }
.LBB1_7:
0xc: {  	s16 =	sadd.s32 $0x80, s8  }
0xd: {  	s12 =	sadd.s32 $0x40, s9;
	s17 =	smov.u32 s9;
	p2 =	sgt.s32 s16, $0x1FF  }
0xe: {  	s17 =	smov.u32 @p2 s12  }
0xf: {  	s18 =	smov.u32 s10;
	s12 =	sadd.s32 $0x2, s10;
	p3 =	sgt.s32 s17, $0x3F  }
0x10: {  	s18 =	smov.u32 @p3 s12  }
0x11: {  	s19 =	smov.u32 s11;
	s12 =	sadd.s32 $0x20, s11;
	p4 =	sgt.s32 s18, $0x7  }
0x12: {  	p1 =	slt.u32 s7, $0x2;
	s19 =	smov.u32 @p4 s12  }
0x13: {  	s7 =	sadd.s32 $0x1, s7;
	s16 =	simm.s32 @p2 $0x0;
	p2 =	sgt.s32 s19, $0xFF  }
0x14: {  	s20 =	simm.s32 @!p1 $0x2;
	s19 =	smov.u32 @p2 s5;
	p2 =	sne.s32 s7, $0x82  }
.Ltmp1:
0x15: {  	s13 =	smov.u32 s9;
	_ =	swait.ge @!p1 [sflag:s20], $0x4000;
	(pc) =	sbr.rel @!p2 .LBB1_8-.Ltmp1, $4  }
0x16: {  	s15 =	smov.u32 s10;
	s14 =	smov.u32 s11;
	[sflag:s20] =	ssyncset.done @!p1 $0x0  }
0x17: {  	p0 =	por !p0, !p0;
	s17 =	simm.s32 @p3 $0x0;
	[sflag:s20] =	ssyncadd.s32 @!p1 $0xFFFFC000  }
0x18: {  	s9 =	smov.u32 s17;
	s18 =	simm.s32 @p4 $0x0;
	s12 =	smov.u32 s8  }
0x19: {  	s8 =	smov.u32 s16;
	s10 =	smov.u32 s18;
	s11 =	smov.u32 s19  }
.LBB1_1:
0x1a: {  	p1 =	sgt.u32 s7, $0x7F  }
0x1b: {  	s16 =	sxor.u32 @!p1 $0xFFFFFFFF, s7;
	s17 =	sand.u32 @!p1 $0x78, s8;
	s18 =	sshll.u32 @!p1 s9, $0x9  }
0x1c: {  	s19 =	sshll.u32 @!p1 s8, $0x3;
	s20 =	sshll.u32 @!p1 s9, $0x7;
	s16 =	sshll.u32 @!p1 s16, $0xE  }
0x1d: {  	s18 =	sand.u32 @!p1 $0x7000, s18;
	s19 =	sand.u32 @!p1 $0x7C00, s19;
	s16 =	sand.u32 @!p1 $0x4000, s16  }
0x1e: {  	s18 =	sadd.s32 @!p1 s18, s19;
	s19 =	sand.u32 @!p1 $0x200, s20;
	s20 =	sand.u32 @!p1 $0x180, s20  }
0x1f: {  	s18 =	sor.u32 @!p1 s19, s18;
	s17 =	sor.u32 @!p1 s17, s20;
	s19 =	sshll.u32 @!p1 s11, $0xF  }
0x20: {  	s20 =	sshll.u32 @!p1 s10, $0xC;
	s18 =	sshrl.u32 @!p1 s18, $0x3;
	s19 =	sadd.s32 @!p1 s2, s19  }
0x21: {  	s17 =	sshrl.u32 @!p1 s17, $0x3;
	s19 =	sadd.s32 @!p1 s20, s19;
	s20 =	sand.u32 @!p1 $0x7, s8  }
0x22: {  	s18 =	sand.u32 @!p1 $0xFC0, s18;
	s17 =	sadd.s32 @!p1 s17, s19;
	s19 =	sshll.u32 @!p1 s20, $0x12  }
0x23: {  	s17 =	sadd.s32 @!p1 s18, s17;
	s18 =	sor.u32 @!p1 $0x400, s19;
	s19 =	simm.s32 @!p1 $0x1000  }
0x24: {  	[tilespmem:s16], [sflag:$0x1] =	stream.strided.gather @!p1 [hbm4b:s17+s18], $0x4000, s19, s18, $0x38;
	[tilespmem:$0x10000] =	vst v63  }
0x25: {  	p1 =	seq.s32 s7, $0x0  }
0x26: {  	p2 =	seq.s32 @!p1 s7, $0x81  }
0x27: {  	p1 =	por p1, p2  }
.Ltmp2:
0x28: {  	_ = 	snop;
	(pc) =	sbr.rel @p1 .LBB1_7-.Ltmp2, $1  }
0x29: {  	_ =	sdelay $0x3  }
0x2a: {  	s16 =	simm.s32 $0x1;
	_ =	swait.ge [sflag:s4], $0x4000  }
0x2b: {  	s17 =	sshll.u32 s7, $0xE;
	s19 =	simm.s32 $0x0;
	s16 =	simm.s32 @!p0 $0x0  }
0x2c: {  	p2 =	por $0x1, $0x1;
	[sflag:s4] =	ssyncset.done $0x0;
	s16 =	sshll.u32 s16, $0x10  }
0x2d: {  	s17 =	sand.u32 $0x4000, s17;
	[sflag:s4] =	ssyncadd.s32 $0xFFFFC000;
	s18 =	sshrl.u32 s16, $0x2  }
0x2e: {  	s16 =	sor.u32 $0x8000, s17;
	s17 =	sadd.s32 $0x8040, s18;
	s18 =	sadd.s32 $0x40, s18  }
.LBB1_3:
0x2f: {  	s20 =	sshll.u32 s19, $0xD  }
0x30: {  	s20 =	sand.u32 $0x3FFFE000, s20  }
0x31: {  	s20 =	sadd.s32 s20, s18  }
0x32: {  	v0 =	vmov s20;
	_ =	sdelay $0x4  }
0x33: {  	v6 =	vld.idx.msk [tilespmem:v0+s22+$0x30 ss:$0x1], $0xffff  }
0x34: {  	v7 =	vld.idx.msk [tilespmem:v0+s22+$0xFFFFFFC0 ss:$0x1], $0xffff  }
0x35: {  	v1 =	vld.idx.msk [tilespmem:v0+s22+$0xFFFFFFD0 ss:$0x1], $0xffff  }
0x36: {  	s31 =	sshll.u32 s19, $0x7;
	v2 =	vld.idx.msk [tilespmem:v0+s22+$0xFFFFFFE0 ss:$0x1], $0xffff  }
0x37: {  	s19 =	sand.u32 $0x3FFFFF80, s31;
	v3 =	vld.idx.msk [tilespmem:v0+s22+$0xFFFFFFF0 ss:$0x1], $0xffff  }
0x38: {  	s19 =	sadd.s32 s19, s17;
	v4 =	vld.idx.msk [tilespmem:v0+s22+$0x0 ss:$0x1], $0xffff  }
0x39: {  	v5 =	vld.idx.msk [tilespmem:v0+s22+$0x10 ss:$0x1], $0xffff;
	[tilespmem:s19+$0x30] =	vst v6  }
0x3a: {  	p1 =	por p2, p2;
	s21 =	simm.s32 $0x400;
	s20 =	simm.s32 $0x80;
	[tilespmem:s19+$0xFFFFFFC0] =	vst v7;
	v6 =	vld.idx.msk [tilespmem:v0+s22+$0x20 ss:$0x1], $0xffff  }
.LBB1_4:
0x3b: {  	p2 =	sne.s32 s21, $0x7E00;
	v7 =	vld.idx.msk [tilespmem:v0+s20+$0x30 ss:$0x1], $0xffff;
	[tilespmem:s19+$0xFFFFFFD0] =	vst v1  }
0x3c: {  	v8 =	vld.idx.msk [tilespmem:v0+s20+$0xFFFFFFC0 ss:$0x1], $0xffff;
	[tilespmem:s19+$0xFFFFFFE0] =	vst v2  }
0x3d: {  	v1 =	vld.idx.msk [tilespmem:v0+s20+$0xFFFFFFD0 ss:$0x1], $0xffff;
	[tilespmem:s19+$0xFFFFFFF0] =	vst v3  }
.Ltmp3:
0x3e: {  	v2 =	vld.idx.msk [tilespmem:v0+s20+$0xFFFFFFE0 ss:$0x1], $0xffff;
	[tilespmem:s19+$0x0] =	vst v4;
	(pc) =	sbr.rel @p2 .LBB1_4-.Ltmp3, $4  }
0x3f: {  	v3 =	vld.idx.msk [tilespmem:v0+s20+$0xFFFFFFF0 ss:$0x1], $0xffff;
	[tilespmem:s19+$0x10] =	vst v5  }
0x40: {  	v4 =	vld.idx.msk [tilespmem:v0+s20+$0x0 ss:$0x1], $0xffff;
	[tilespmem:s19+$0x20] =	vst v6;
	s19 =	sadd.s32 $0x100, s19  }
0x41: {  	v5 =	vld.idx.msk [tilespmem:v0+s20+$0x10 ss:$0x1], $0xffff;
	[tilespmem:s19+$0x30] =	vst v7  }
0x42: {  	[tilespmem:s19+$0xFFFFFFC0] =	vst v8;
	v6 =	vld.idx.msk [tilespmem:v0+s20+$0x20 ss:$0x1], $0xffff;
	s20 =	sshra.s32 s21, $0x2;
	s21 =	sadd.s32 $0x200, s21  }
0x43: {  	_ =	sdelay $0x2  }
0x44: {  	[tilespmem:s19+$0xFFFFFFD0] =	vst v1  }
0x45: {  	v56 =	vld.idx.msk [tilespmem:v0+s20+$0x30 ss:$0x1], $0xffff;
	[tilespmem:s19+$0xFFFFFFE0] =	vst v2  }
0x46: {  	v57 =	vld.idx.msk [tilespmem:v0+s20+$0xFFFFFFC0 ss:$0x1], $0xffff;
	[tilespmem:s19+$0xFFFFFFF0] =	vst v3  }
0x47: {  	v58 =	vld.idx.msk [tilespmem:v0+s20+$0xFFFFFFD0 ss:$0x1], $0xffff;
	[tilespmem:s19+$0x0] =	vst v4  }
0x48: {  	v59 =	vld.idx.msk [tilespmem:v0+s20+$0xFFFFFFE0 ss:$0x1], $0xffff;
	[tilespmem:s19+$0x10] =	vst v5  }
0x49: {  	v60 =	vld.idx.msk [tilespmem:v0+s20+$0xFFFFFFF0 ss:$0x1], $0xffff;
	s31 =	sadd.s32 $0x100, s19;
	[tilespmem:s19+$0x20] =	vst v6  }
0x4a: {  	v61 =	vld.idx.msk [tilespmem:v0+s20+$0x0 ss:$0x1], $0xffff;
	[tilespmem:s31+$0x30] =	vst v56  }
0x4b: {  	v62 =	vld.idx.msk [tilespmem:v0+s20+$0x10 ss:$0x1], $0xffff;
	[tilespmem:s31+$0xFFFFFFC0] =	vst v57  }
0x4c: {  	v63 =	vld.idx.msk [tilespmem:v0+s20+$0x20 ss:$0x1], $0xffff;
	[tilespmem:s31+$0xFFFFFFD0] =	vst v58  }
.Ltmp4:
0x4d: {  	[tilespmem:s31+$0xFFFFFFE0] =	vst v59;
	(pc) =	sbr.rel @p1 .LBB1_3-.Ltmp4, $4  }
0x4e: {  	[tilespmem:s31+$0xFFFFFFF0] =	vst v60  }
0x4f: {  	[tilespmem:s31+$0x0] =	vst v61  }
0x50: {  	[tilespmem:s31+$0x10] =	vst v62  }
0x51: {  	p2 =	por $0x0, $0x0;
	s19 =	simm.s32 $0x1;
	[tilespmem:s31+$0x20] =	vst v63  }
0x52: {  	s17 =	sshll.u32 s12, $0x3;
	s15 =	sshll.u32 s15, $0x7;
	s18 =	sand.u32 $0x78, s12  }
0x53: {  	s14 =	sshll.u32 s14, $0xF;
	s13 =	sshll.u32 s13, $0x9;
	s15 =	sand.u32 $0x380, s15  }
.Ltmp5:
0x54: {  	s17 =	sand.u32 $0xC00, s17;
	s15 =	sor.u32 s18, s15;
	(pc) =	sbr.rel .LBB1_7-.Ltmp5, $4  }
0x55: {  	s31 =	sand.u32 $0x7, s12;
	s14 =	sadd.s32 s3, s14;
	s15 =	sor.u32 s17, s15  }
0x56: {  	s12 =	sshll.u32 s31, $0x12;
	s13 =	sadd.s32 s13, s14;
	s15 =	sshrl.u32 s15, $0x3  }
0x57: {  	s12 =	sor.u32 $0x100, s12;
	s13 =	sadd.s32 s15, s13  }
0x58: {  	[hbm4b:s13+s12] =	stream.strided.scatter [tilespmem:s16], [sflag:$0x2], $0x4000, s6, s12, $0x38;
	[tilespmem:$0x10000] =	vst v63  }
.LBB1_8:
0x59: {  	_ =	sfence.sel $0x180000  }
0x5a: {  	s2 =	simm.s32 $0x1;
	[bflag:$0x0] =	sbarrier.arrive $0xFFFF  }
0x5b: {  	s31 =	simm.s32 $0x2;
	[sflag:s2] =	ssyncpa.u1 $0x1  }
0x5c: {  	[sflag:s31] =	ssyncpa.u1 $0x1  }
0x5d: {  	p0 =	sne.s32 s1, $0x0;
	_ =	strace $0x90000047  }
0x5e: {  	s0 =	sadd.s32 @!p0 $0x100000, s0;
	[bflag:$0x2] =	sbarrier.arrive $0xFFFF  }
0x5f: {  	[sflag:s0] =	ssyncadd.tile.s32 @!p0 $0x1;
	_ =	shalt  }
.Lfunc_end1:
_tile_overlayer_lowered:
.L_overlay_start_2:
0x60: {  	(tag) =	ssettag $0x2  }
0x61: {  	s0 =	rddreg [dreg:$0x0];
	s2 =	stileid.u32  }
0x62: {  	s1 =	rddreg [dreg:$0x1];
	p0 =	sne.s32 s2, $0x0  }
0x63: {  	s3 =	rddreg [dreg:$0x2];
	[bflag:$0x3] =	sbarrier.arrive $0xFFFF;
	s2 =	simm.s32 @!p0 $0x1C01  }
0x64: {  	[timem:s3], [sflag:s2] =	dma.local @!p0 [hbm:s0], s1  }
0x65: {  	s0 =	simm.s32 @!p0 $0x1  }
0x66: {  	_ =	swait.ge @!p0 [sflag:s0], s1  }
0x67: {  	s1 =	ssub.s32 @!p0 $0x0, s1;
	[sflag:s0] =	ssyncset.done @!p0 $0x0  }
0x68: {  	[sflag:s0] =	ssyncadd.s32 @!p0 s1  }
0x69: {  	[bflag:$0x3] =	sbarrier.arrive $0xFFFF  }
0x6a: {  	_ =	shalt  }

</sc_bundles>
